<compile_context>
chip_gen: v7x
topology: tpu7x:2x2x1
jax: 0.10.2.dev20260603
libtpu: 0.0.44.dev20260713+nightly
codegen_flags: <defaults>
</compile_context>

<pallas_src>
import functools

import jax
import jax.numpy as jnp
from jax import lax
from jax.experimental import pallas as pl
from jax.experimental.pallas import tpu as pltpu
from jax.experimental.pallas import tpu_sc as plsc

_NC = 2
_NS = 16
_NW = _NC * _NS
_ROW = 128


def _build_hist(n_edges, n_pad):
    assert n_edges % _NW == 0
    per_w = n_edges // _NW
    ch = 16
    for d in range(16, 12801, 16):
        if per_w % d == 0:
            ch = d
    n_chunks = per_w // ch
    assert n_pad % _NS == 0
    z_len = n_pad // _NS
    assert z_len % 16 == 0

    mesh = plsc.VectorSubcoreMesh(core_axis_name="c", subcore_axis_name="s",
                                  num_cores=_NC, num_subcores=_NS)

    def body(ei, out, idx_v, ones_v, zero_v, hist):
        c = lax.axis_index("c")
        s = lax.axis_index("s")
        w = s * _NC + c
        ones16 = jnp.full((16,), 1.0, jnp.float32)
        zeros16 = jnp.zeros((16,), jnp.float32)

        def fill_ones(i, _):
            ones_v[pl.ds(i * 16, 16)] = ones16
            return _
        lax.fori_loop(0, ch // 16, fill_ones, 0)

        def fill_z(i, _):
            zero_v[pl.ds(i * 16, 16)] = zeros16
            return _
        lax.fori_loop(0, z_len // 16, fill_z, 0)

        pltpu.sync_copy(zero_v, hist.at[pl.ds(s * z_len, z_len)])
        plsc.subcore_barrier()

        start = w * per_w

        def chunk(j, _):
            pltpu.sync_copy(ei.at[pl.ds(start + j * ch, ch)], idx_v)
            pltpu.sync_copy(ones_v, hist.at[idx_v], add=True)
            return _
        lax.fori_loop(0, n_chunks, chunk, 0)

        plsc.subcore_barrier()
        pltpu.sync_copy(hist.at[pl.ds(s * z_len, z_len)], zero_v)
        pltpu.sync_copy(zero_v, out.at[pl.ds(c * n_pad + s * z_len, z_len)])

    return pl.kernel(
        body,
        out_type=jax.ShapeDtypeStruct((_NC * n_pad,), jnp.float32),
        mesh=mesh,
        scratch_types=[
            pltpu.VMEM((ch,), jnp.int32),
            pltpu.VMEM((ch,), jnp.float32),
            pltpu.VMEM((z_len,), jnp.float32),
            pltpu.VMEM_SHARED((n_pad,), jnp.float32),
        ],
    )


def _dense_body(p_ref, w_ref, b_ref, o_ref, *, max_freq):
    p = p_ref[...]
    d = p[0:1, :] + p[1:2, :] + 1.0
    t = jnp.log(d)
    e = (lax.broadcasted_iota(jnp.int32, (max_freq, 1), 0).astype(jnp.float32)
         / jnp.float32(max_freq))
    pe = jnp.exp(e * t)
    res = lax.dot_general(w_ref[...], pe, (((1,), (0,)), ((), ())),
                          preferred_element_type=jnp.float32)
    o_ref[...] = res.T + b_ref[...]


def kernel(edge_index, num_nodes, W, b):
    del num_nodes
    n_nodes = 100000
    hidden, max_freq = W.shape
    n_edges = edge_index.shape[1]
    row = edge_index[0]
    if row.dtype != jnp.int32:
        row = row.astype(jnp.int32)

    n_pad = ((n_nodes + _ROW - 1) // _ROW) * _ROW

    partials = _build_hist(n_edges, n_pad)(row).reshape(_NC, n_pad)

    blk = 1024
    out = pl.pallas_call(
        functools.partial(_dense_body, max_freq=max_freq),
        grid=(pl.cdiv(n_nodes, blk),),
        in_specs=[
            pl.BlockSpec((_NC, blk), lambda g: (0, g)),
            pl.BlockSpec((hidden, max_freq), lambda g: (0, 0)),
            pl.BlockSpec((1, hidden), lambda g: (0, 0)),
        ],
        out_specs=pl.BlockSpec((blk, hidden), lambda g: (g, 0)),
        out_shape=jax.ShapeDtypeStruct((n_nodes, hidden), jnp.float32),
        compiler_params=pltpu.CompilerParams(
            dimension_semantics=("arbitrary",)),
    )(partials, W, b.reshape(1, hidden))
    return out

# --- scband reference (transcript-rebuilt; emitter-appended) ---
"""Pipeline reference for scband-lap-pe-75110388072730 (READ-ONLY COPY).

The authoritative reference and input builder live on the scoring server;
editing this copy changes nothing except your own understanding.
"""

import jax, jax.numpy as jnp
import numpy as np

MAX_FREQ = 10
HIDDEN_DIM = 16
N_NODES = 100000
N_EDGES = 3200000


def setup_inputs(seed: int = 0) -> dict:
    key = jax.random.key(seed)
    k1, k2, k3 = jax.random.split(key, 3)
    edge_index = jax.random.randint(k1, (2, N_EDGES), 0, N_NODES).astype(jnp.int64)
    W = jax.random.normal(k2, (HIDDEN_DIM, MAX_FREQ), dtype=jnp.float32) * (1.0 / np.sqrt(MAX_FREQ))
    b = jax.random.normal(k3, (HIDDEN_DIM,), dtype=jnp.float32) * 0.01
    return {"edge_index": edge_index, "num_nodes": N_NODES, "W": W, "b": b}


def reference(edge_index, num_nodes, W, b):
    # add_self_loops
    zero_offset = jnp.asarray(num_nodes - N_NODES, dtype=edge_index.dtype)
    loops = jnp.arange(N_NODES, dtype=edge_index.dtype) + zero_offset
    ei = jnp.concatenate([edge_index, jnp.stack([loops, loops], axis=0)], axis=1)
    row = ei[0]
    # degree: scatter-add of ones over source nodes (SparseCore segment_sum)
    deg = jax.ops.segment_sum(jnp.ones(row.shape[0], dtype=jnp.float32), row, num_segments=N_NODES)
    # deg_inv_sqrt computed as in original module (unused downstream, kept faithful)
    deg_inv_sqrt = deg ** -0.5
    deg_inv_sqrt = jnp.where(jnp.isinf(deg_inv_sqrt), 0.0, deg_inv_sqrt)
    # pe[:, i] = deg ** (i / max_freq)
    exps = jnp.arange(MAX_FREQ, dtype=jnp.float32) / MAX_FREQ
    pe = deg[:, None] ** exps[None, :]
    # linear layer
    return pe @ W.T + b

if __name__ == "__main__":
    import jax
    _d = setup_inputs()
    print(jax.jit(kernel)(*tuple(_d.values())))

</pallas_src>

<mosaic_0001>
#map = affine_map<(d0, d1) -> (0)>
module attributes {stable_mosaic.version = 14 : i64} {
  func.func @body(%arg0: i32, %arg1: i32, %arg2: memref<3200000xi32, #tpu.memory_space<hbm>>, %arg3: memref<200192xf32, #tpu.memory_space<hbm>>, %arg4: memref<10000xi32, #tpu.memory_space<vmem>>, %arg5: memref<10000xf32, #tpu.memory_space<vmem>>, %arg6: memref<6256xf32, #tpu.memory_space<vmem>>, %arg7: memref<100096xf32, #tpu.memory_space<vmem_shared>>) attributes {dimension_semantics = [#tpu.dimension_semantics<core_parallel>, #tpu.dimension_semantics<subcore_parallel>], iteration_bounds = array<i64: 2, 16>, scalar_prefetch = 0 : i64, scratch_operands = 4 : i64, tpu.core_type = #tpu.core_type<sc_vector_subcore>, window_params = [{transform_indices = #map}, {transform_indices = #map}]} {
    %mul3A = arith.constant 2 : i32
    %mul3A_0 = arith.muli %arg1, %mul3A : i32
    %add3A = arith.addi %mul3A_0, %arg0 : i32
    %broadcast_in_dim3A = arith.constant 1.000000e+00 : f32
    %broadcast_in_dim3A_1 = vector.broadcast %broadcast_in_dim3A : f32 to vector<16xf32>
    %broadcast_in_dim3A_2 = arith.constant 0.000000e+00 : f32
    %broadcast_in_dim3A_3 = vector.broadcast %broadcast_in_dim3A_2 : f32 to vector<16xf32>
    %scan3A = arith.constant 0 : i32
    %scan3A_4 = arith.constant 0 : i32
    %scan3A_5 = arith.constant 625 : i32
    %scan3A_6 = arith.addi %scan3A_4, %scan3A_5 : i32
    %scan3A_7 = arith.constant 1 : i32
    scf.for %scan3A_33 = %scan3A_4 to %scan3A_6 step %scan3A_7  : i32 {
      %mul3A_34 = arith.constant 16 : i32
      %mul3A_35 = arith.muli %scan3A_33, %mul3A_34 : i32
      %swap3A = arith.index_cast %mul3A_35 : i32 to index
      %swap3A_36 = tpu.vector_load %arg5[%swap3A] {strides = array<i32>} : memref<10000xf32, #tpu.memory_space<vmem>>, vector<16xf32>,
      %swap3A_37 = vector.shape_cast %swap3A_36 : vector<16xf32> to vector<16xf32>
      %swap3A_38 = vector.shape_cast %broadcast_in_dim3A_1 : vector<16xf32> to vector<16xf32>
      tpu.vector_store %arg5[%swap3A], %swap3A_38 {strides = array<i32>} : memref<10000xf32, #tpu.memory_space<vmem>>, vector<16xf32>,
    }
    %scan3A_8 = arith.constant 625 : i32
    %scan3A_9 = arith.constant 0 : i32
    %scan3A_10 = arith.constant 0 : i32
    %scan3A_11 = arith.constant 391 : i32
    %scan3A_12 = arith.addi %scan3A_10, %scan3A_11 : i32
    %scan3A_13 = arith.constant 1 : i32
    scf.for %scan3A_33 = %scan3A_10 to %scan3A_12 step %scan3A_13  : i32 {
      %mul3A_34 = arith.constant 16 : i32
      %mul3A_35 = arith.muli %scan3A_33, %mul3A_34 : i32
      %swap3A = arith.index_cast %mul3A_35 : i32 to index
      %swap3A_36 = tpu.vector_load %arg6[%swap3A] {strides = array<i32>} : memref<6256xf32, #tpu.memory_space<vmem>>, vector<16xf32>,
      %swap3A_37 = vector.shape_cast %swap3A_36 : vector<16xf32> to vector<16xf32>
      %swap3A_38 = vector.shape_cast %broadcast_in_dim3A_3 : vector<16xf32> to vector<16xf32>
      tpu.vector_store %arg6[%swap3A], %swap3A_38 {strides = array<i32>} : memref<6256xf32, #tpu.memory_space<vmem>>, vector<16xf32>,
    }
    %scan3A_14 = arith.constant 391 : i32
    %mul3A_15 = arith.constant 6256 : i32
    %mul3A_16 = arith.muli %arg1, %mul3A_15 : i32
    "tpu.region"() ({
      %run_scoped3A = tpu.sem_alloc : memref<!tpu.dma_semaphore, #tpu.memory_space<semaphore_mem>>
      %dma_start3A = tpu.memref_slice %arg7[%mul3A_16] : memref<100096xf32, #tpu.memory_space<vmem_shared>> -> memref<6256xf32, #tpu.memory_space<vmem_shared>>
      %dma_start3A_33 = tpu.memref_slice %arg7[%mul3A_16] : memref<100096xf32, #tpu.memory_space<vmem_shared>> -> memref<6256xf32, #tpu.memory_space<vmem_shared>>
      tpu.enqueue_dma source(%arg6 : memref<6256xf32, #tpu.memory_space<vmem>>) target(%dma_start3A_33 : memref<6256xf32, #tpu.memory_space<vmem_shared>>) target_semaphore(%run_scoped3A : memref<!tpu.dma_semaphore, #tpu.memory_space<semaphore_mem>>)
      %dma_wait3A = tpu.memref_slice %arg7[%mul3A_16] : memref<100096xf32, #tpu.memory_space<vmem_shared>> -> memref<6256xf32, #tpu.memory_space<vmem_shared>>
      %dma_wait3A_34 = tpu.memref_slice %arg7[%mul3A_16] : memref<100096xf32, #tpu.memory_space<vmem_shared>> -> memref<6256xf32, #tpu.memory_space<vmem_shared>>
      tpu.wait_dma2 semaphore(%run_scoped3A : memref<!tpu.dma_semaphore, #tpu.memory_space<semaphore_mem>>) src(%arg6 : memref<6256xf32, #tpu.memory_space<vmem>>) dst(%dma_wait3A_34 : memref<6256xf32, #tpu.memory_space<vmem_shared>>)
      tpu.yield
    }) : () -> ()
    %barrier3A = arith.constant 0 : index
    tpu.barrier barrier_id(%barrier3A)
    %mul3A_17 = arith.constant 100000 : i32
    %mul3A_18 = arith.muli %add3A, %mul3A_17 : i32
    %scan3A_19 = arith.constant 0 : i32
    %scan3A_20 = arith.constant 0 : i32
    %scan3A_21 = arith.constant 10 : i32
    %scan3A_22 = arith.addi %scan3A_20, %scan3A_21 : i32
    %scan3A_23 = arith.constant 1 : i32
    scf.for %scan3A_33 = %scan3A_20 to %scan3A_22 step %scan3A_23  : i32 {
      %mul3A_34 = arith.constant 10000 : i32
      %mul3A_35 = arith.muli %scan3A_33, %mul3A_34 : i32
      %add3A_36 = arith.addi %mul3A_18, %mul3A_35 : i32
      "tpu.region"() ({
        %run_scoped3A = tpu.sem_alloc : memref<!tpu.dma_semaphore, #tpu.memory_space<semaphore_mem>>
        %dma_start3A = tpu.memref_slice %arg2[%add3A_36] : memref<3200000xi32, #tpu.memory_space<hbm>> -> memref<10000xi32, #tpu.memory_space<hbm>>
        %dma_start3A_37 = tpu.memref_slice %arg2[%add3A_36] : memref<3200000xi32, #tpu.memory_space<hbm>> -> memref<10000xi32, #tpu.memory_space<hbm>>
        tpu.enqueue_dma source(%dma_start3A_37 : memref<10000xi32, #tpu.memory_space<hbm>>) target(%arg4 : memref<10000xi32, #tpu.memory_space<vmem>>) target_semaphore(%run_scoped3A : memref<!tpu.dma_semaphore, #tpu.memory_space<semaphore_mem>>)
        %dma_wait3A = tpu.memref_slice %arg2[%add3A_36] : memref<3200000xi32, #tpu.memory_space<hbm>> -> memref<10000xi32, #tpu.memory_space<hbm>>
        %dma_wait3A_38 = tpu.memref_slice %arg2[%add3A_36] : memref<3200000xi32, #tpu.memory_space<hbm>> -> memref<10000xi32, #tpu.memory_space<hbm>>
        tpu.wait_dma2 semaphore(%run_scoped3A : memref<!tpu.dma_semaphore, #tpu.memory_space<semaphore_mem>>) src(%dma_wait3A_38 : memref<10000xi32, #tpu.memory_space<hbm>>) dst(%arg4 : memref<10000xi32, #tpu.memory_space<vmem>>)
        tpu.yield
      }) : () -> ()
      "tpu.region"() ({
        %run_scoped3A = tpu.sem_alloc : memref<!tpu.dma_semaphore, #tpu.memory_space<semaphore_mem>>
        %dma_start3A = arith.constant 0 : i32
        %dma_start3A_37 = tpu.memref_slice %arg7[%dma_start3A] : memref<100096xf32, #tpu.memory_space<vmem_shared>> -> memref<100096xf32, #tpu.memory_space<vmem_shared>>
        tpu.enqueue_indirect_dma source(%arg5 : memref<10000xf32, #tpu.memory_space<vmem>>) target(%dma_start3A_37 : memref<100096xf32, #tpu.memory_space<vmem_shared>>) offsets(%arg4 : memref<10000xi32, #tpu.memory_space<vmem>>) semaphore(%run_scoped3A : memref<!tpu.dma_semaphore, #tpu.memory_space<semaphore_mem>>) {add = true}
        %dma_wait3A = arith.constant 0 : i32
        %dma_wait3A_38 = tpu.memref_slice %arg7[%dma_wait3A] : memref<100096xf32, #tpu.memory_space<vmem_shared>> -> memref<100096xf32, #tpu.memory_space<vmem_shared>>
        tpu.wait_indirect_dma semaphore(%run_scoped3A : memref<!tpu.dma_semaphore, #tpu.memory_space<semaphore_mem>>) src(%arg5 : memref<10000xf32, #tpu.memory_space<vmem>>) dst(%dma_wait3A_38 : memref<100096xf32, #tpu.memory_space<vmem_shared>>)
        tpu.yield
      }) : () -> ()
    }
    %scan3A_24 = arith.constant 10 : i32
    %barrier3A_25 = arith.constant 0 : index
    tpu.barrier barrier_id(%barrier3A_25)
    %mul3A_26 = arith.constant 6256 : i32
    %mul3A_27 = arith.muli %arg1, %mul3A_26 : i32
    "tpu.region"() ({
      %run_scoped3A = tpu.sem_alloc : memref<!tpu.dma_semaphore, #tpu.memory_space<semaphore_mem>>
      %dma_start3A = tpu.memref_slice %arg7[%mul3A_27] : memref<100096xf32, #tpu.memory_space<vmem_shared>> -> memref<6256xf32, #tpu.memory_space<vmem_shared>>
      %dma_start3A_33 = tpu.memref_slice %arg7[%mul3A_27] : memref<100096xf32, #tpu.memory_space<vmem_shared>> -> memref<6256xf32, #tpu.memory_space<vmem_shared>>
      tpu.enqueue_dma source(%dma_start3A_33 : memref<6256xf32, #tpu.memory_space<vmem_shared>>) target(%arg6 : memref<6256xf32, #tpu.memory_space<vmem>>) target_semaphore(%run_scoped3A : memref<!tpu.dma_semaphore, #tpu.memory_space<semaphore_mem>>)
      %dma_wait3A = tpu.memref_slice %arg7[%mul3A_27] : memref<100096xf32, #tpu.memory_space<vmem_shared>> -> memref<6256xf32, #tpu.memory_space<vmem_shared>>
      %dma_wait3A_34 = tpu.memref_slice %arg7[%mul3A_27] : memref<100096xf32, #tpu.memory_space<vmem_shared>> -> memref<6256xf32, #tpu.memory_space<vmem_shared>>
      tpu.wait_dma2 semaphore(%run_scoped3A : memref<!tpu.dma_semaphore, #tpu.memory_space<semaphore_mem>>) src(%dma_wait3A_34 : memref<6256xf32, #tpu.memory_space<vmem_shared>>) dst(%arg6 : memref<6256xf32, #tpu.memory_space<vmem>>)
      tpu.yield
    }) : () -> ()
    %mul3A_28 = arith.constant 100096 : i32
    %mul3A_29 = arith.muli %arg0, %mul3A_28 : i32
    %mul3A_30 = arith.constant 6256 : i32
    %mul3A_31 = arith.muli %arg1, %mul3A_30 : i32
    %add3A_32 = arith.addi %mul3A_29, %mul3A_31 : i32
    "tpu.region"() ({
      %run_scoped3A = tpu.sem_alloc : memref<!tpu.dma_semaphore, #tpu.memory_space<semaphore_mem>>
      %dma_start3A = tpu.memref_slice %arg3[%add3A_32] : memref<200192xf32, #tpu.memory_space<hbm>> -> memref<6256xf32, #tpu.memory_space<hbm>>
      %dma_start3A_33 = tpu.memref_slice %arg3[%add3A_32] : memref<200192xf32, #tpu.memory_space<hbm>> -> memref<6256xf32, #tpu.memory_space<hbm>>
      tpu.enqueue_dma source(%arg6 : memref<6256xf32, #tpu.memory_space<vmem>>) target(%dma_start3A_33 : memref<6256xf32, #tpu.memory_space<hbm>>) target_semaphore(%run_scoped3A : memref<!tpu.dma_semaphore, #tpu.memory_space<semaphore_mem>>)
      %dma_wait3A = tpu.memref_slice %arg3[%add3A_32] : memref<200192xf32, #tpu.memory_space<hbm>> -> memref<6256xf32, #tpu.memory_space<hbm>>
      %dma_wait3A_34 = tpu.memref_slice %arg3[%add3A_32] : memref<200192xf32, #tpu.memory_space<hbm>> -> memref<6256xf32, #tpu.memory_space<hbm>>
      tpu.wait_dma2 semaphore(%run_scoped3A : memref<!tpu.dma_semaphore, #tpu.memory_space<semaphore_mem>>) src(%arg6 : memref<6256xf32, #tpu.memory_space<vmem>>) dst(%dma_wait3A_34 : memref<6256xf32, #tpu.memory_space<hbm>>)
      tpu.yield
    }) : () -> ()
    return
  }
}

module attributes {stable_mosaic.version = 14 : i64} {
  func.func @_dense_body(%arg0: i32, %arg1: memref<2x1024xf32, #tpu.memory_space<vmem>>, %arg2: memref<16x10xf32, #tpu.memory_space<vmem>>, %arg3: memref<1x16xf32, #tpu.memory_space<vmem>>, %arg4: memref<1024x16xf32, #tpu.memory_space<vmem>>) attributes {dimension_semantics = [#tpu.dimension_semantics<arbitrary>], iteration_bounds = array<i64: 98>, scalar_prefetch = 0 : i64, scratch_operands = 0 : i64, tpu.core_type = #tpu.core_type<tc>, window_params = [{transform_indices = @transform_0, window_bounds = array<i64: 2, 1024>}, {pipeline_mode = #tpu.pipeline_mode<synchronous>, transform_indices = @transform_1, window_bounds = array<i64: 16, 10>}, {pipeline_mode = #tpu.pipeline_mode<synchronous>, transform_indices = @transform_2, window_bounds = array<i64: 1, 16>}, {transform_indices = @transform_3, window_bounds = array<i64: 1024, 16>}]} {
    %get3A = arith.constant 0 : index
    %get3A_0 = arith.constant 0 : index
    %get3A_1 = vector.load %arg1[%get3A, %get3A_0] : memref<2x1024xf32, #tpu.memory_space<vmem>>, vector<2x1024xf32>
    %slice3A = vector.extract_strided_slice %get3A_1 {offsets = [0, 0], sizes = [1, 1024], strides = [1, 1]} : vector<2x1024xf32> to vector<1x1024xf32>
    %slice3A_2 = vector.extract_strided_slice %get3A_1 {offsets = [1, 0], sizes = [1, 1024], strides = [1, 1]} : vector<2x1024xf32> to vector<1x1024xf32>
    %add3A = arith.addf %slice3A, %slice3A_2 : vector<1x1024xf32>
    %add3A_3 = arith.constant 1.000000e+00 : f32
    %add3A_4 = vector.broadcast %add3A_3 : f32 to vector<1x1024xf32>
    %add3A_5 = arith.addf %add3A, %add3A_4 : vector<1x1024xf32>
    %log3A = math.log %add3A_5 : vector<1x1024xf32>
    %iota3A = tpu.iota {dimensions = array<i32: 0>} : vector<10x1xi32>
    %convert_element_type3A = arith.sitofp %iota3A : vector<10x1xi32> to vector<10x1xf32>
    %div3A = arith.constant 1.000000e+01 : f32
    %div3A_6 = vector.broadcast %div3A : f32 to vector<10x1xf32>
    %div3A_7 = arith.divf %convert_element_type3A, %div3A_6 : vector<10x1xf32>
    %mul3A = vector.broadcast %div3A_7 : vector<10x1xf32> to vector<10x1024xf32>
    %mul3A_8 = vector.broadcast %log3A : vector<1x1024xf32> to vector<10x1024xf32>
    %mul3A_9 = arith.mulf %mul3A, %mul3A_8 : vector<10x1024xf32>
    %exp3A = math.exp %mul3A_9 : vector<10x1024xf32>
    %get3A_10 = arith.constant 0 : index
    %get3A_11 = arith.constant 0 : index
    %get3A_12 = vector.load %arg2[%get3A_10, %get3A_11] : memref<16x10xf32, #tpu.memory_space<vmem>>, vector<16x10xf32>
    %dot_general3A = arith.constant dense<0.000000e+00> : vector<16x1024xf32>
    %dot_general3A_13 = tpu.matmul %get3A_12, %exp3A, %dot_general3A {dimension_numbers = #tpu.dot_dimension_numbers<[1], [0], [0], [1], [0, 0, 1, 1], [], []>, transpose_lhs_hint = false} : vector<16x10xf32>, vector<10x1024xf32>, vector<16x1024xf32> -> vector<16x1024xf32>
    %transpose3A = tpu.transpose %dot_general3A_13, [1, 0] : vector<16x1024xf32> -> vector<1024x16xf32>
    %get3A_14 = arith.constant 0 : index
    %get3A_15 = arith.constant 0 : index
    %get3A_16 = vector.load %arg3[%get3A_14, %get3A_15] : memref<1x16xf32, #tpu.memory_space<vmem>>, vector<1x16xf32>
    %add3A_17 = vector.broadcast %get3A_16 : vector<1x16xf32> to vector<1024x16xf32>
    %add3A_18 = arith.addf %transpose3A, %add3A_17 : vector<1024x16xf32>
    %swap3A = arith.constant 0 : index
    %swap3A_19 = arith.constant 0 : index
    %swap3A_20 = vector.load %arg4[%swap3A, %swap3A_19] : memref<1024x16xf32, #tpu.memory_space<vmem>>, vector<1024x16xf32>
    tpu.vector_store %arg4[%swap3A, %swap3A_19], %add3A_18 {strides = array<i32>} : memref<1024x16xf32, #tpu.memory_space<vmem>>, vector<1024x16xf32>,
    return
  }
  func.func @transform_0(%arg0: i32) -> (i32, i32) {
    %c0_i32 = arith.constant 0 : i32
    %c0_i32_0 = arith.constant 0 : i32
    return %c0_i32, %arg0 : i32, i32
  }
  func.func @transform_1(%arg0: i32) -> (i32, i32) {
    %c0_i32 = arith.constant 0 : i32
    %c0_i32_0 = arith.constant 0 : i32
    %c0_i32_1 = arith.constant 0 : i32
    return %c0_i32, %c0_i32_0 : i32, i32
  }
  func.func @transform_2(%arg0: i32) -> (i32, i32) {
    %c0_i32 = arith.constant 0 : i32
    %c0_i32_0 = arith.constant 0 : i32
    %c0_i32_1 = arith.constant 0 : i32
    return %c0_i32, %c0_i32_0 : i32, i32
  }
  func.func @transform_3(%arg0: i32) -> (i32, i32) {
    %c0_i32 = arith.constant 0 : i32
    %c0_i32_0 = arith.constant 0 : i32
    return %arg0, %c0_i32 : i32, i32
  }
}

</mosaic_0001>

<sc_bundles>
// kernel: kernel.4.cloned.1.call-start
scs
__scs_entry_jumppad:
0x0: {  	(pc) =	sbr.rel $0x88, $3  }
0x1: {  	(tag) =	ssettag $0x0;
	lr =	simm.s32 $0x1  }
0x2: {  	[smem:$0x3F9E] =	sst lr;
	_ =	strace $0xD0000000  }
0x3: {  	_ = 	snop  }
0x4: {  	_ = 	snop  }
0x5: {  	_ = 	snop  }
0x6: {  	_ = 	snop  }
0x7: {  	_ = 	snop  }
__scs_overlays_trampoline_lowered:
0x8: {  	[smem:$0x3FAD] =	sst s0  }
0x9: {  	[smem:$0x3FAE] =	sst s1  }
0xa: {  	[smem:$0x3FAF] =	sst s2  }
0xb: {  	[smem:$0x3FB0] =	sst s3  }
0xc: {  	[smem:$0x3FB1] =	sst s4  }
0xd: {  	[smem:$0x3FB2] =	sst s5  }
0xe: {  	[smem:$0x3FB3] =	sst s6  }
0xf: {  	[smem:$0x3FB4] =	sst s7  }
0x10: {  	[smem:$0x3FB5] =	sst s8  }
0x11: {  	[smem:$0x3FB6] =	sst s9;
	s0 =	simm.s32 @!p0 $0x0  }
0x12: {  	s1 =	sld [smem:$0x3F9C];
	s0 =	simm.s32 @p0 $0x1  }
0x13: {  	[smem:$0x3FB7] =	sst s0;
	s0 =	simm.s32 @!p1 $0x0  }
0x14: {  	s2 =	sld [smem:$0x3F9B];
	s0 =	simm.s32 @p1 $0x1  }
0x15: {  	[smem:$0x3FB8] =	sst s0;
	s0 =	simm.s32 @!p2 $0x0  }
0x16: {  	s3 =	sld [smem:$0x3FDB];
	s0 =	simm.s32 @p2 $0x1  }
0x17: {  	s4 =	simm.s32 $0x1BF5;
	[smem:$0x3FBA] =	sst s0  }
0x18: {  	s0 =	sld [smem:$0x3F9D];
	_ =	swait.ge [sflag:s4], $0x0  }
0x19: {  	s7 =	sld [smem:$0x3F9E]  }
0x1a: {  	s8 =	sadd.s32 $0xFFFFE003, lr  }
0x1b: {  	s9 =	sadd.s32 $0xFFFFFEF7, lr;
	s5 =	simm.s32 $0xFFFFFFFF;
	p2 =	slt.u32 s8, $0xFFFFF086  }
0x1c: {  	p1 =	slt.u32 s9, $0xF7A;
	s5 =	simm.s32 @!p2 $0x0  }
0x1d: {  	s5 =	simm.s32 @p1 $0x1;
	p0 =	seq.s32 s7, s2  }
0x1e: {  	s7 =	smul.u32 @!p0 $0xF7A, s2;
	p2 =	seq.s32 @!p0 s5, $0x0  }
0x1f: {  	s9 =	smul.u32 $0xF7A, s1;
	s8 =	simm.s32 @!p0 $0x1BF5;
	p2 =	por !p2, p0  }
0x20: {  	[sflag:s8] =	ssyncset.s32 @!p0 $0xFFFFF086;
	s6 =	sadd.s32 @!p0 s3, s7;
	s7 =	simm.s32 @!p0 $0x108  }
0x21: {  	s3 =	sadd.s32 s3, s9;
	s6 =	sadd.s32 @!p0 $0x88, s6;
	s7 =	simm.s32 @p2 $0x1082  }
0x22: {  	[simem:s7], [sflag:s8] =	dma.local @!p0 [hbm:s6], $0xF7A  }
0x23: {  	s9 =	sor.u32 $0xD0000000, s2;
	s6 =	simm.s32 $0x108;
	_ =	swait.ge @!p0 [sflag:s8], $0x0  }
0x24: {  	s3 =	sadd.s32 $0x88, s3;
	s6 =	simm.s32 @!p1 $0x1082;
	[sflag:s4] =	ssyncset.s32 $0xFFFFF086  }
0x25: {  	[simem:s6], [sflag:s4] =	dma.local [hbm:s3], $0xF7A  }
0x26: {  	[smem:$0x3F9E] =	sst s1;
	(tag) =	ssettag s2;
	_ =	strace s9  }
0x27: {  	s1 =	sld [smem:$0x3FAE]  }
0x28: {  	s2 =	sld [smem:$0x3FAF]  }
0x29: {  	s4 =	sld [smem:$0x3FB1]  }
0x2a: {  	p0 =	seq.s32 s5, $0x0;
	s5 =	sld [smem:$0x3FB2]  }
0x2b: {  	s6 =	sld [smem:$0x3FB3]  }
0x2c: {  	s7 =	sld [smem:$0x3FB4]  }
0x2d: {  	s3 =	simm.s32 $0x108;
	s8 =	sld [smem:$0x3FB5]  }
0x2e: {  	s3 =	simm.s32 @!p0 $0x1082;
	s9 =	sld [smem:$0x3FB6]  }
0x2f: {  	lr =	sadd.s32 s0, s3;
	s0 =	sld [smem:$0x3FAD]  }
0x30: {  	s3 =	sld [smem:$0x3FB0]  }
0x31: {  	[smem:$0x3FB9] =	sst s10  }
0x32: {  	s10 =	sld [smem:$0x3FB7];
	_ =	sdelay $0x3  }
0x33: {  	p0 =	seq.s32 s10, $0x1;
	s10 =	sld [smem:$0x3FB9];
	_ =	sdelay $0x3  }
0x34: {  	[smem:$0x3FB9] =	sst s10  }
0x35: {  	s10 =	sld [smem:$0x3FB8];
	_ =	sdelay $0x3  }
0x36: {  	p1 =	seq.s32 s10, $0x1;
	s10 =	sld [smem:$0x3FB9];
	_ =	sdelay $0x3  }
0x37: {  	[smem:$0x3FB9] =	sst s10  }
0x38: {  	s10 =	sld [smem:$0x3FBA]  }
0x39: {  	_ = 	snop;
	(pc) =	sbr.ind lr, $3  }
0x3a: {  	_ = 	snop  }
0x3b: {  	_ = 	snop  }
0x3c: {  	p2 =	seq.s32 s10, $0x1;
	s10 =	sld [smem:$0x3FB9]  }
0x3d: {  	_ =	shalt  }
0x3e: {  	_ =	shalt  }
0x3f: {  	_ =	shalt  }
0x40: {  	_ =	shalt  }
0x41: {  	_ =	shalt  }
0x42: {  	_ =	shalt  }
0x43: {  	_ =	shalt  }
0x44: {  	_ =	shalt  }
0x45: {  	_ =	shalt  }
0x46: {  	_ =	shalt  }
0x47: {  	_ =	shalt  }
0x48: {  	_ =	shalt  }
0x49: {  	_ =	shalt  }
0x4a: {  	_ =	shalt  }
0x4b: {  	_ =	shalt  }
0x4c: {  	_ =	shalt  }
0x4d: {  	_ =	shalt  }
0x4e: {  	_ =	shalt  }
0x4f: {  	_ =	shalt  }
0x50: {  	_ =	shalt  }
0x51: {  	_ =	shalt  }
0x52: {  	_ =	shalt  }
0x53: {  	_ =	shalt  }
0x54: {  	_ =	shalt  }
0x55: {  	_ =	shalt  }
0x56: {  	_ =	shalt  }
0x57: {  	_ =	shalt  }
0x58: {  	_ =	shalt  }
0x59: {  	_ =	shalt  }
0x5a: {  	_ =	shalt  }
0x5b: {  	_ =	shalt  }
0x5c: {  	_ =	shalt  }
0x5d: {  	_ =	shalt  }
0x5e: {  	_ =	shalt  }
0x5f: {  	_ =	shalt  }
0x60: {  	_ =	shalt  }
0x61: {  	_ =	shalt  }
0x62: {  	_ =	shalt  }
0x63: {  	_ =	shalt  }
0x64: {  	_ =	shalt  }
0x65: {  	_ =	shalt  }
0x66: {  	_ =	shalt  }
0x67: {  	_ =	shalt  }
0x68: {  	_ =	shalt  }
0x69: {  	_ =	shalt  }
0x6a: {  	_ =	shalt  }
0x6b: {  	_ =	shalt  }
0x6c: {  	_ =	shalt  }
0x6d: {  	_ =	shalt  }
0x6e: {  	_ =	shalt  }
0x6f: {  	_ =	shalt  }
0x70: {  	_ =	shalt  }
0x71: {  	_ =	shalt  }
0x72: {  	_ =	shalt  }
0x73: {  	_ =	shalt  }
0x74: {  	_ =	shalt  }
0x75: {  	_ =	shalt  }
0x76: {  	_ =	shalt  }
0x77: {  	_ =	shalt  }
0x78: {  	_ =	shalt  }
0x79: {  	_ =	shalt  }
0x7a: {  	_ =	shalt  }
0x7b: {  	_ =	shalt  }
0x7c: {  	_ =	shalt  }
0x7d: {  	_ =	shalt  }
0x7e: {  	_ =	shalt  }
0x7f: {  	_ =	shalt  }
0x80: {  	_ =	shalt  }
0x81: {  	_ =	shalt  }
0x82: {  	_ =	shalt  }
0x83: {  	_ =	shalt  }
0x84: {  	_ =	shalt  }
0x85: {  	_ =	shalt  }
0x86: {  	_ =	shalt  }
0x87: {  	_ =	shalt  }
.Lfunc_end0:
.L_simem_size_0:
called_computation_lowered:
.L_overlay_start_0:
0x88: {  	s2 =	sld [smem:$0x3FD9]  }
0x89: {  	s3 =	sld [smem:$0x3FFE];
	_ =	sdelay $0x1  }
0x8a: {  	s1 =	srdreg.scid  }
0x8b: {  	s0 =	sand.u32 $0x1, s1  }
0x8c: {  	s17 =	sshll.u32 s0, $0xA;
	s2 =	sadd.s32 s3, s2  }
0x8d: {  	s2 =	sadd.s32 s2, s17  }
0x8e: {  	[smem:$0x3FC5] =	sst s2  }
0x8f: {  	_ = 	snop  }
0x90: {  	s2 =	sld [smem:$0x3FD0];
	(tm) =	ssettm $0x1  }
0x91: {  	s18 =	sld [smem:$0x3FFB];
	_ =	sdelay $0x3  }
0x92: {  	_ =	strace s18  }
0x93: {  	s3 =	sld [smem:$0x3FFC];
	_ =	sdelay $0x3  }
0x94: {  	_ =	strace s3  }
0x95: {  	s3 =	sld [smem:$0x3FFD];
	_ =	sdelay $0x3  }
0x96: {  	_ =	strace s3  }
0x97: {  	_ =	strace $0x8FFFFFFF  }
0x98: {  	s19 =	sld [smem:$0x3FDB];
	_ =	sdelay $0x1  }
0x99: {  	s4 =	simm.s32 $_scs_section_size  }
0x9a: {  	s5 =	simm.s32 $_size__tile_overlayer_lowered;
	s6 =	simm.s32 $_tile_overlayer_lowered  }
0x9b: {  	s22 =	simm.s32 $0x1BFF;
	s21 =	sshll.u32 s6, $0x1;
	s3 =	sadd.s32 s4, s19  }
0x9c: {  	s7 =	simm.s32 $0x0;
	s20 =	sshll.u32 s5, $0x1;
	s5 =	sadd.s32 s21, s3  }
0x9d: {  	[timem:s7], [sflag:s22] =	dma.local [hbm:s5], s20  }
0x9e: {  	_ =	swait.ge [sflag:s22], s20  }
0x9f: {  	s4 =	ssub.s32 $0x0, s20;
	[sflag:s22] =	ssyncset.done $0x0  }
0xa0: {  	[sflag:s22] =	ssyncadd.s32 s4;
	_ =	sdelay $0x1  }
0xa1: {  	s23 =	simm.s32 $0x1B8B  }
0xa2: {  	_ =	swait.ge [sflag:s23], $0x1  }
0xa3: {  	[sflag:s23] =	ssyncset.done $0x0  }
0xa4: {  	s25 =	simm.s32 $0x1B8E;
	s24 =	sld [smem:$0x3FFE];
	[sflag:s23] =	ssyncadd.s32 $0xFFFFFFFF  }
0xa5: {  	s26 =	simm.s32 $execute0_lowered;
	[smem:$0x3FD2] =	sst s25  }
0xa6: {  	s5 =	sshll.u32 s26, $0x1;
	_ =	strace $0x80000046;
	[dreg:$0x1] =	wrdreg $0xFFFFFFFF  }
0xa7: {  	s28 =	simm.s32 $_size_execute0_lowered;
	s3 =	sadd.s32 s3, s5;
	[dreg:$0x0] =	wrdreg $0x0  }
0xa8: {  	s5 =	sshll.u32 s28, $0x1;
	[dreg:$0x2] =	wrdreg s3  }
0xa9: {  	[dreg:$0x3] =	wrdreg s5  }
0xaa: {  	[dreg:$0x4] =	wrdreg $0xC0  }
0xab: {  	_ =	task [dreg:s7], $0x5FFFF  }
0xac: {  	[dreg:$0x1] =	wrdreg $0xFFFFFFFF  }
0xad: {  	[dreg:$0x0] =	wrdreg $0x60  }
0xae: {  	[dreg:$0x2] =	wrdreg s24  }
0xaf: {  	[dreg:$0x3] =	wrdreg s2  }
0xb0: {  	[dreg:$0x4] =	wrdreg $0x67800  }
0xb1: {  	[dreg:$0x5] =	wrdreg $0x9  }
0xb2: {  	_ =	task.clear_ibuf [dreg:s7], $0x6FFFF;
	_ =	strace $0x90000046  }
0xb3: {  	s29 =	simm.s32 $0x9;
	_ =	strace $0x80000048  }
0xb4: {  	_ =	swait.ge [sflag:s29], $0x1  }
0xb5: {  	[sflag:s29] =	ssyncadd.s32 $0xFFFFFFFF  }
0xb6: {  	_ =	strace $0x90000048  }
0xb7: {  	_ =	sfence  }
0xb8: {  	s30 =	sld [smem:$0x0];
	_ =	sdelay $0x2  }
0xb9: {  	s31 =	sshll.u32 s1, $0xD;
	s1 =	sshrl.u32 s1, $0x2  }
0xba: {  	s3 =	sand.u32 $0x4000, s31;
	s1 =	sadd.s32 s1, s30  }
0xbb: {  	s0 =	sor.u32 s3, s0;
	s1 =	sshll.u32 s1, $0x11  }
0xbc: {  	s0 =	sor.u32 s1, s0  }
0xbd: {  	s0 =	sadd.s32 $0x8F2B, s0  }
0xbe: {  	[sflag:s0] =	ssyncadd.remote.s32 $0x1  }
0xbf: {  	_ =	sfence.sel $0xFFFF  }
0xc0: {  	[dreg:$0x0] =	wrdreg $0xFFFFFFFF;
	(pc) =	sbr.abs _section_cstart, $3  }
0xc1: {  	[dreg:$0x1] =	wrdreg $0xFFFFFFFF  }
0xc2: {  	_ =	task.clear_ibuf [dreg:s7], $0x2FFFF;
	_ =	strace $0x9FFFFFFF  }
0xc3: {  	(tm) =	ssettm $0x7FFFFFFF  }
tec
execute0_lowered:
.L_overlay_start_1:
0x0: {  	(tag) =	ssettag $0x1  }
0x1: {  	s1 =	srdreg.scid;
	s4 =	rddreg [dreg:$0x0]  }
0x2: {  	s0 =	stileid.u32;
	s6 =	rddreg [dreg:$0x1]  }
0x3: {  	s2 =	rddreg [dreg:$0x2];
	s3 =	simm.s32 $0x0;
	s17 =	simm.s32 $0x4F00  }
0x4: {  	s18 =	simm.s32 $0x1;
	s19 =	simm.s32 $0x2710;
	s20 =	simm.s32 $0x2780  }
0x5: {  	s5 =	sand.u32 $0x1, s1;
	s29 =	sshll.u32 s0, $0x1;
	s8 =	smul.u32 $0x1870, s0  }
0x6: {  	s21 =	simm.s32 $0x0;
	s1 =	sor.u32 s5, s29;
	s9 =	smul.u32 $0x18700, s5  }
0x7: {  	[smem:$0x7FF] =	sst s3;
	s5 =	ssub.s32 $0x2, s5;
	s7 =	smul.u32 $0x186A0, s1  }
0x8: {  	s1 =	rddreg [dreg:$0x3];
	_ =	strace $0x80000047;
	s10 =	sshrl.u32 s5, $0x1  }
0x9: {  	s9 =	sadd.s32 s8, s9;
	s30 =	ssub.s32 s5, s10;
	s7 =	sshrl.u32 s7, $0x3  }
0xa: {  	s31 =	sshrl.u32 s9, $0x3;
	s16 =	sadd.s32 s7, s4;
	s4 =	sadd.s32 s8, s2  }
0xb: {  	s5 =	sadd.s32 s6, s31;
	s7 =	smax.u32 s30, $0x1;
	s6 =	sadd.s32 $0x800, s16  }
0xc: {  	s8 =	sadd.s32 $0xCE2, s16;
	s9 =	sadd.s32 $0x11C4, s16;
	s10 =	sadd.s32 $0x16A6, s16  }
0xd: {  	s11 =	sadd.s32 $0x1B88, s16;
	s12 =	sadd.s32 $0x206A, s16;
	s13 =	sadd.s32 $0x254C, s16  }
0xe: {  	v0 =	vimm.f32 $1.000000000e+00;
	v1 =	vimm.f32 $0.0e+00;
	s14 =	sadd.s32 $0x2A2E, s16;
	s15 =	sadd.s32 $0x2F10, s16;
	s16 =	sadd.s32 $0x33F2, s16  }
.LBB2_1:
0xf: {  	s22 =	simm.s32 $0x0  }
.LBB2_2:
0x10: {  	p0 =	sne.s32 s22, $0x9C00  }
.Ltmp0:
0x11: {  	_ = 	snop;
	(pc) =	sbr.rel @p0 .LBB2_2-.Ltmp0, $3  }
0x12: {  	_ =	sdelay $0x1  }
0x13: {  	s23 =	sshra.s32 s22, $0x2  }
0x14: {  	s22 =	sadd.s32 $0x40, s22;
	[tilespmem:s23+$0x2780] =	vst v0  }
0x15: {  	s22 =	simm.s32 $0x40;
	s23 =	simm.s32 $0x0  }
.LBB2_4:
0x16: {  	p0 =	sne.s32 s22, $0x6180;
	[tilespmem:s23+$0x4F00] =	vst v1;
	s23 =	smov.u32 s22;
	s22 =	sadd.s32 $0x40, s22  }
.Ltmp1:
0x17: {  	(pc) =	sbr.rel @p0 .LBB2_4-.Ltmp1, $2  }
0x18: {  	_ =	sdelay $0x2  }
0x19: {  	s23 =	sshra.s32 s23, $0x2  }
0x1a: {  	[tilespmem:s23+$0x4F00] =	vst v1  }
0x1b: {  	[spmem:s4] =	stream.linear.scatter [tilespmem:s17], [sflag:$0x1], $0x1870, $0x38;
	[tilespmem:$0x7FF0] =	vst v63  }
0x1c: {  	_ =	swait.ge [sflag:s18], $0x1870  }
0x1d: {  	[sflag:s18] =	ssyncset.done $0x0  }
0x1e: {  	[sflag:s18] =	ssyncadd.s32 $0xFFFFE790  }
0x1f: {  	[bflag:$0x0] =	sbarrier.arrive $0xFFFF  }
0x20: {  	[tilespmem:s3], [sflag:$0x1] =	stream.linear.gather [hbm4b:s6+s3], $0x2710, $0x38;
	[tilespmem:$0x7FF0] =	vst v63  }
0x21: {  	_ =	swait.ge [sflag:s18], $0x2710  }
0x22: {  	[sflag:s18] =	ssyncset.done $0x0  }
0x23: {  	[sflag:s18] =	ssyncadd.s32 $0xFFFFD8F0  }
0x24: {  	[spmem:s2] =	stream.indirect.scatter.add.f32 [tilespmem:s20], [sflag:$0x1], $0x1, s3, s19, $0xb8;
	[tilespmem:$0x7FF0] =	vst v63  }
0x25: {  	_ =	swait.ge [sflag:s18], $0x2710  }
0x26: {  	[sflag:s18] =	ssyncset.done $0x0  }
0x27: {  	[sflag:s18] =	ssyncadd.s32 $0xFFFFD8F0  }
0x28: {  	[tilespmem:s3], [sflag:$0x1] =	stream.linear.gather [hbm4b:s8+s3], $0x2710, $0x38;
	[tilespmem:$0x7FF0] =	vst v63  }
0x29: {  	_ =	swait.ge [sflag:s18], $0x2710  }
0x2a: {  	[sflag:s18] =	ssyncset.done $0x0  }
0x2b: {  	[sflag:s18] =	ssyncadd.s32 $0xFFFFD8F0  }
0x2c: {  	[spmem:s2] =	stream.indirect.scatter.add.f32 [tilespmem:s20], [sflag:$0x1], $0x1, s3, s19, $0xb8;
	[tilespmem:$0x7FF0] =	vst v63  }
0x2d: {  	_ =	swait.ge [sflag:s18], $0x2710  }
0x2e: {  	[sflag:s18] =	ssyncset.done $0x0  }
0x2f: {  	[sflag:s18] =	ssyncadd.s32 $0xFFFFD8F0  }
0x30: {  	[tilespmem:s3], [sflag:$0x1] =	stream.linear.gather [hbm4b:s9+s3], $0x2710, $0x38;
	[tilespmem:$0x7FF0] =	vst v63  }
0x31: {  	_ =	swait.ge [sflag:s18], $0x2710  }
0x32: {  	[sflag:s18] =	ssyncset.done $0x0  }
0x33: {  	[sflag:s18] =	ssyncadd.s32 $0xFFFFD8F0  }
0x34: {  	[spmem:s2] =	stream.indirect.scatter.add.f32 [tilespmem:s20], [sflag:$0x1], $0x1, s3, s19, $0xb8;
	[tilespmem:$0x7FF0] =	vst v63  }
0x35: {  	_ =	swait.ge [sflag:s18], $0x2710  }
0x36: {  	[sflag:s18] =	ssyncset.done $0x0  }
0x37: {  	[sflag:s18] =	ssyncadd.s32 $0xFFFFD8F0  }
0x38: {  	[tilespmem:s3], [sflag:$0x1] =	stream.linear.gather [hbm4b:s10+s3], $0x2710, $0x38;
	[tilespmem:$0x7FF0] =	vst v63  }
0x39: {  	_ =	swait.ge [sflag:s18], $0x2710  }
0x3a: {  	[sflag:s18] =	ssyncset.done $0x0  }
0x3b: {  	[sflag:s18] =	ssyncadd.s32 $0xFFFFD8F0  }
0x3c: {  	[spmem:s2] =	stream.indirect.scatter.add.f32 [tilespmem:s20], [sflag:$0x1], $0x1, s3, s19, $0xb8;
	[tilespmem:$0x7FF0] =	vst v63  }
0x3d: {  	_ =	swait.ge [sflag:s18], $0x2710  }
0x3e: {  	[sflag:s18] =	ssyncset.done $0x0  }
0x3f: {  	[sflag:s18] =	ssyncadd.s32 $0xFFFFD8F0  }
0x40: {  	[tilespmem:s3], [sflag:$0x1] =	stream.linear.gather [hbm4b:s11+s3], $0x2710, $0x38;
	[tilespmem:$0x7FF0] =	vst v63  }
0x41: {  	_ =	swait.ge [sflag:s18], $0x2710  }
0x42: {  	[sflag:s18] =	ssyncset.done $0x0  }
0x43: {  	[sflag:s18] =	ssyncadd.s32 $0xFFFFD8F0  }
0x44: {  	[spmem:s2] =	stream.indirect.scatter.add.f32 [tilespmem:s20], [sflag:$0x1], $0x1, s3, s19, $0xb8;
	[tilespmem:$0x7FF0] =	vst v63  }
0x45: {  	_ =	swait.ge [sflag:s18], $0x2710  }
0x46: {  	[sflag:s18] =	ssyncset.done $0x0  }
0x47: {  	[sflag:s18] =	ssyncadd.s32 $0xFFFFD8F0  }
0x48: {  	[tilespmem:s3], [sflag:$0x1] =	stream.linear.gather [hbm4b:s12+s3], $0x2710, $0x38;
	[tilespmem:$0x7FF0] =	vst v63  }
0x49: {  	_ =	swait.ge [sflag:s18], $0x2710  }
0x4a: {  	[sflag:s18] =	ssyncset.done $0x0  }
0x4b: {  	[sflag:s18] =	ssyncadd.s32 $0xFFFFD8F0  }
0x4c: {  	[spmem:s2] =	stream.indirect.scatter.add.f32 [tilespmem:s20], [sflag:$0x1], $0x1, s3, s19, $0xb8;
	[tilespmem:$0x7FF0] =	vst v63  }
0x4d: {  	_ =	swait.ge [sflag:s18], $0x2710  }
0x4e: {  	[sflag:s18] =	ssyncset.done $0x0  }
0x4f: {  	[sflag:s18] =	ssyncadd.s32 $0xFFFFD8F0  }
0x50: {  	[tilespmem:s3], [sflag:$0x1] =	stream.linear.gather [hbm4b:s13+s3], $0x2710, $0x38;
	[tilespmem:$0x7FF0] =	vst v63  }
0x51: {  	_ =	swait.ge [sflag:s18], $0x2710  }
0x52: {  	[sflag:s18] =	ssyncset.done $0x0  }
0x53: {  	[sflag:s18] =	ssyncadd.s32 $0xFFFFD8F0  }
0x54: {  	[spmem:s2] =	stream.indirect.scatter.add.f32 [tilespmem:s20], [sflag:$0x1], $0x1, s3, s19, $0xb8;
	[tilespmem:$0x7FF0] =	vst v63  }
0x55: {  	_ =	swait.ge [sflag:s18], $0x2710  }
0x56: {  	[sflag:s18] =	ssyncset.done $0x0  }
0x57: {  	[sflag:s18] =	ssyncadd.s32 $0xFFFFD8F0  }
0x58: {  	[tilespmem:s3], [sflag:$0x1] =	stream.linear.gather [hbm4b:s14+s3], $0x2710, $0x38;
	[tilespmem:$0x7FF0] =	vst v63  }
0x59: {  	_ =	swait.ge [sflag:s18], $0x2710  }
0x5a: {  	[sflag:s18] =	ssyncset.done $0x0  }
0x5b: {  	[sflag:s18] =	ssyncadd.s32 $0xFFFFD8F0  }
0x5c: {  	[spmem:s2] =	stream.indirect.scatter.add.f32 [tilespmem:s20], [sflag:$0x1], $0x1, s3, s19, $0xb8;
	[tilespmem:$0x7FF0] =	vst v63  }
0x5d: {  	_ =	swait.ge [sflag:s18], $0x2710  }
0x5e: {  	[sflag:s18] =	ssyncset.done $0x0  }
0x5f: {  	[sflag:s18] =	ssyncadd.s32 $0xFFFFD8F0  }
0x60: {  	[tilespmem:s3], [sflag:$0x1] =	stream.linear.gather [hbm4b:s15+s3], $0x2710, $0x38;
	[tilespmem:$0x7FF0] =	vst v63  }
0x61: {  	_ =	swait.ge [sflag:s18], $0x2710  }
0x62: {  	[sflag:s18] =	ssyncset.done $0x0  }
0x63: {  	[sflag:s18] =	ssyncadd.s32 $0xFFFFD8F0  }
0x64: {  	[spmem:s2] =	stream.indirect.scatter.add.f32 [tilespmem:s20], [sflag:$0x1], $0x1, s3, s19, $0xb8;
	[tilespmem:$0x7FF0] =	vst v63  }
0x65: {  	_ =	swait.ge [sflag:s18], $0x2710  }
0x66: {  	[sflag:s18] =	ssyncset.done $0x0  }
0x67: {  	[sflag:s18] =	ssyncadd.s32 $0xFFFFD8F0  }
0x68: {  	[tilespmem:s3], [sflag:$0x1] =	stream.linear.gather [hbm4b:s16+s3], $0x2710, $0x38;
	[tilespmem:$0x7FF0] =	vst v63  }
0x69: {  	_ =	swait.ge [sflag:s18], $0x2710  }
0x6a: {  	[sflag:s18] =	ssyncset.done $0x0  }
0x6b: {  	[sflag:s18] =	ssyncadd.s32 $0xFFFFD8F0  }
0x6c: {  	[spmem:s2] =	stream.indirect.scatter.add.f32 [tilespmem:s20], [sflag:$0x1], $0x1, s3, s19, $0xb8;
	[tilespmem:$0x7FF0] =	vst v63  }
0x6d: {  	_ =	swait.ge [sflag:s18], $0x2710  }
0x6e: {  	[sflag:s18] =	ssyncset.done $0x0  }
0x6f: {  	[sflag:s18] =	ssyncadd.s32 $0xFFFFD8F0  }
0x70: {  	[bflag:$0x0] =	sbarrier.arrive $0xFFFF  }
0x71: {  	[tilespmem:s17], [sflag:$0x1] =	stream.linear.gather [spmem:s4], $0x1870, $0x38;
	[tilespmem:$0x7FF0] =	vst v63  }
0x72: {  	s21 =	sadd.s32 $0x1, s21;
	_ =	swait.ge [sflag:s18], $0x1870  }
0x73: {  	p0 =	sne.s32 s21, s7;
	[sflag:s18] =	ssyncset.done $0x0  }
.Ltmp2:
0x74: {  	[sflag:s18] =	ssyncadd.s32 $0xFFFFE790;
	(pc) =	sbr.rel @p0 .LBB2_1-.Ltmp2, $4  }
0x75: {  	[hbm4b:s5+s3] =	stream.linear.scatter [tilespmem:s17], [sflag:$0x1], $0x1870, $0x38;
	[tilespmem:$0x7FF0] =	vst v63  }
0x76: {  	_ =	swait.ge [sflag:s18], $0x1870  }
0x77: {  	[sflag:s18] =	ssyncset.done $0x0  }
0x78: {  	[sflag:s18] =	ssyncadd.s32 $0xFFFFE790  }
0x79: {  	_ =	sfence.sel $0x180000  }
0x7a: {  	[bflag:$0x0] =	sbarrier.arrive $0xFFFF  }
0x7b: {  	p0 =	sne.s32 s0, $0x0;
	_ =	strace $0x90000047  }
0x7c: {  	s0 =	sadd.s32 @!p0 $0x100000, s1;
	[bflag:$0x2] =	sbarrier.arrive $0xFFFF  }
0x7d: {  	[sflag:s0] =	ssyncadd.tile.s32 @!p0 $0x1;
	_ =	shalt  }
.Lfunc_end2:
_tile_overlayer_lowered:
.L_overlay_start_2:
0x7e: {  	(tag) =	ssettag $0x2  }
0x7f: {  	s0 =	rddreg [dreg:$0x0];
	s2 =	stileid.u32  }
0x80: {  	s1 =	rddreg [dreg:$0x1];
	p0 =	sne.s32 s2, $0x0  }
0x81: {  	s3 =	rddreg [dreg:$0x2];
	[bflag:$0x3] =	sbarrier.arrive $0xFFFF;
	s2 =	simm.s32 @!p0 $0x1C01  }
0x82: {  	[timem:s3], [sflag:s2] =	dma.local @!p0 [hbm:s0], s1  }
0x83: {  	s0 =	simm.s32 @!p0 $0x1  }
0x84: {  	_ =	swait.ge @!p0 [sflag:s0], s1  }
0x85: {  	s1 =	ssub.s32 @!p0 $0x0, s1;
	[sflag:s0] =	ssyncset.done @!p0 $0x0  }
0x86: {  	[sflag:s0] =	ssyncadd.s32 @!p0 s1  }
0x87: {  	[bflag:$0x3] =	sbarrier.arrive $0xFFFF  }
0x88: {  	_ =	shalt  }

</sc_bundles>
